<compile_context>
chip_gen: v7x
topology: tpu7x:2x2x1
jax: 0.10.2.dev20260603
libtpu: 0.0.44.dev20260713+nightly
codegen_flags: <defaults>
</compile_context>

<pallas_src>
import jax
import jax.numpy as jnp
import numpy as np
from jax import lax
from jax.experimental import pallas as pl
from jax.experimental.pallas import tpu as pltpu
from jax.experimental.pallas import tpu_sc as plsc

_VOCAB = 100000
_B = 1024
_L = 200
_BIAS = float(np.log(12000 / 10000))

_NC = 2
_NS = 16
_NW = _NC * _NS
_ROWS_PER_W = _B // _NW
_HR = _ROWS_PER_W // 2


def _sc_body(idx_hbm, r_hbm, out_hbm, r_sh, idx_v, vals0_v, vals1_v, out_v,
             sem0, sem1):
    sid = lax.axis_index("s")
    wid = sid * _NC + lax.axis_index("c")
    row0 = wid * _ROWS_PER_W

    @pl.when(sid == 0)
    def _():
        pltpu.sync_copy(r_hbm, r_sh)

    pltpu.sync_copy(idx_hbm.at[pl.ds(row0 * _L, _ROWS_PER_W * _L)], idx_v)

    plsc.subcore_barrier()

    half = _HR * _L
    cp0 = pltpu.async_copy(r_sh.at[idx_v.at[pl.ds(0, half)]], vals0_v, sem0)
    cp1 = pltpu.async_copy(r_sh.at[idx_v.at[pl.ds(half, half)]], vals1_v, sem1)

    row_off = lax.iota(jnp.int32, 16) * _L
    init = (jnp.full((16,), _BIAS, jnp.float32), jnp.zeros((16,), jnp.float32))

    def acc_half(vref):
        def body(l, ab):
            a, b = ab
            p = row_off + 2 * l
            return (a + plsc.load_gather(vref, [p]),
                    b + plsc.load_gather(vref, [p + 1]))
        a, b = plsc.parallel_loop(0, _L // 2, carry=init, unroll=4)(body)
        return a + b

    cp0.wait()
    a0 = acc_half(vals0_v)
    cp1.wait()
    a1 = acc_half(vals1_v)
    out_v[pl.ds(0, 16)] = a0
    out_v[pl.ds(16, 16)] = a1
    pltpu.sync_copy(out_v, out_hbm.at[pl.ds(row0, _ROWS_PER_W)])


@jax.jit
def _run(idx2d, r):
    mesh = plsc.VectorSubcoreMesh(core_axis_name="c", subcore_axis_name="s")
    return pl.kernel(
        _sc_body,
        mesh=mesh,
        compiler_params=pltpu.CompilerParams(
            needs_layout_passes=False, skip_device_barrier=True
        ),
        out_type=jax.ShapeDtypeStruct((_B,), jnp.float32),
        scratch_types=[
            pltpu.VMEM_SHARED((_VOCAB,), jnp.float32),
            pltpu.VMEM((_ROWS_PER_W * _L,), jnp.int32),
            pltpu.VMEM((_HR * _L,), jnp.float32),
            pltpu.VMEM((_HR * _L,), jnp.float32),
            pltpu.VMEM((_ROWS_PER_W,), jnp.float32),
            pltpu.SemaphoreType.DMA,
            pltpu.SemaphoreType.DMA,
        ],
    )(idx2d, r)


def kernel(batch, r):
    return _run(batch.astype(jnp.int32).reshape(-1), r)

# --- scband reference (transcript-rebuilt; emitter-appended) ---
"""Pipeline reference for scband-multinomial-nb-2267742732999 (READ-ONLY COPY).

The authoritative reference and input builder live on the scoring server;
editing this copy changes nothing except your own understanding.
"""

import jax, jax.numpy as jnp
import numpy as np

VOCAB = 100000
B = 1024
L = 200
N_POSITIVE = 12000
N_NEGATIVE = 10000


def setup_inputs(seed: int = 0) -> dict:
    key = jax.random.key(seed)
    k1, k2 = jax.random.split(key)
    # token-id batch [B, L], values in [0, VOCAB)
    batch = jax.random.randint(k1, (B, L), 0, VOCAB)
    # learned log-likelihood-ratio vector r (in the torch module this is
    # computed during train(); here we materialize it as a parameter)
    r = jax.random.normal(k2, (VOCAB,), dtype=jnp.float32)
    return {"batch": batch, "r": r}


def reference(batch, r):
    # get_features: bag-of-words counts via scatter-add into [B, VOCAB]
    rows = jnp.broadcast_to(jnp.arange(B)[:, None], (B, L))
    features = jnp.zeros((B, VOCAB), dtype=jnp.float32).at[rows, batch].add(1.0)
    # forward: features @ r + log(n_positive / n_negative)
    bias = np.log(N_POSITIVE / N_NEGATIVE)
    return jnp.matmul(features, jnp.squeeze(r)) + bias

if __name__ == "__main__":
    import jax
    _d = setup_inputs()
    print(jax.jit(kernel)(*tuple(_d.values())))

</pallas_src>

<mosaic_0001>
#map = affine_map<(d0, d1) -> (0)>
module attributes {stable_mosaic.version = 14 : i64} {
  func.func @_sc_body(%arg0: i32, %arg1: i32, %arg2: memref<204800xi32, #tpu.memory_space<hbm>>, %arg3: memref<100000xf32, #tpu.memory_space<hbm>>, %arg4: memref<1024xf32, #tpu.memory_space<hbm>>, %arg5: memref<100000xf32, #tpu.memory_space<vmem_shared>>, %arg6: memref<6400xi32, #tpu.memory_space<vmem>>, %arg7: memref<3200xf32, #tpu.memory_space<vmem>>, %arg8: memref<3200xf32, #tpu.memory_space<vmem>>, %arg9: memref<32xf32, #tpu.memory_space<vmem>>, %arg10: memref<!tpu.dma_semaphore, #tpu.memory_space<semaphore_mem>>, %arg11: memref<!tpu.dma_semaphore, #tpu.memory_space<semaphore_mem>>) attributes {dimension_semantics = [#tpu.dimension_semantics<core_parallel>, #tpu.dimension_semantics<subcore_parallel>], iteration_bounds = array<i64: 2, 16>, scalar_prefetch = 0 : i64, scratch_operands = 7 : i64, tpu.core_type = #tpu.core_type<sc_vector_subcore>, window_params = [{transform_indices = #map}, {transform_indices = #map}, {transform_indices = #map}]} {
    %mul3A = arith.constant 2 : i32
    %mul3A_0 = arith.muli %arg1, %mul3A : i32
    %add3A = arith.addi %mul3A_0, %arg0 : i32
    %mul3A_1 = arith.constant 32 : i32
    %mul3A_2 = arith.muli %add3A, %mul3A_1 : i32
    %eq3A = arith.constant 0 : i32
    %eq3A_3 = arith.cmpi eq, %arg1, %eq3A : i32
    %convert_element_type3A = arith.extui %eq3A_3 : i1 to i32
    %cond3A = arith.constant 0 : i32
    %cond3A_4 = arith.cmpi ne, %convert_element_type3A, %cond3A : i32
    scf.if %cond3A_4 {
      "tpu.region"() ({
        %run_scoped3A = tpu.sem_alloc : memref<!tpu.dma_semaphore, #tpu.memory_space<semaphore_mem>>
        tpu.enqueue_dma source(%arg3 : memref<100000xf32, #tpu.memory_space<hbm>>) target(%arg5 : memref<100000xf32, #tpu.memory_space<vmem_shared>>) target_semaphore(%run_scoped3A : memref<!tpu.dma_semaphore, #tpu.memory_space<semaphore_mem>>)
        tpu.wait_dma2 semaphore(%run_scoped3A : memref<!tpu.dma_semaphore, #tpu.memory_space<semaphore_mem>>) src(%arg3 : memref<100000xf32, #tpu.memory_space<hbm>>) dst(%arg5 : memref<100000xf32, #tpu.memory_space<vmem_shared>>)
        tpu.yield
      }) : () -> ()
    } else {
    }
    %mul3A_5 = arith.constant 200 : i32
    %mul3A_6 = arith.muli %mul3A_2, %mul3A_5 : i32
    "tpu.region"() ({
      %run_scoped3A = tpu.sem_alloc : memref<!tpu.dma_semaphore, #tpu.memory_space<semaphore_mem>>
      %dma_start3A_39 = tpu.memref_slice %arg2[%mul3A_6] : memref<204800xi32, #tpu.memory_space<hbm>> -> memref<6400xi32, #tpu.memory_space<hbm>>
      %dma_start3A_40 = tpu.memref_slice %arg2[%mul3A_6] : memref<204800xi32, #tpu.memory_space<hbm>> -> memref<6400xi32, #tpu.memory_space<hbm>>
      tpu.enqueue_dma source(%dma_start3A_40 : memref<6400xi32, #tpu.memory_space<hbm>>) target(%arg6 : memref<6400xi32, #tpu.memory_space<vmem>>) target_semaphore(%run_scoped3A : memref<!tpu.dma_semaphore, #tpu.memory_space<semaphore_mem>>)
      %dma_wait3A_41 = tpu.memref_slice %arg2[%mul3A_6] : memref<204800xi32, #tpu.memory_space<hbm>> -> memref<6400xi32, #tpu.memory_space<hbm>>
      %dma_wait3A_42 = tpu.memref_slice %arg2[%mul3A_6] : memref<204800xi32, #tpu.memory_space<hbm>> -> memref<6400xi32, #tpu.memory_space<hbm>>
      tpu.wait_dma2 semaphore(%run_scoped3A : memref<!tpu.dma_semaphore, #tpu.memory_space<semaphore_mem>>) src(%dma_wait3A_42 : memref<6400xi32, #tpu.memory_space<hbm>>) dst(%arg6 : memref<6400xi32, #tpu.memory_space<vmem>>)
      tpu.yield
    }) : () -> ()
    %barrier3A = arith.constant 0 : index
    tpu.barrier barrier_id(%barrier3A)
    %dma_start3A = arith.constant 0 : i32
    %dma_start3A_7 = tpu.memref_slice %arg6[%dma_start3A] : memref<6400xi32, #tpu.memory_space<vmem>> -> memref<3200xi32, #tpu.memory_space<vmem>>
    %dma_start3A_8 = arith.constant 0 : i32
    %dma_start3A_9 = tpu.memref_slice %arg5[%dma_start3A_8] : memref<100000xf32, #tpu.memory_space<vmem_shared>> -> memref<100000xf32, #tpu.memory_space<vmem_shared>>
    tpu.enqueue_indirect_dma source(%dma_start3A_9 : memref<100000xf32, #tpu.memory_space<vmem_shared>>) target(%arg7 : memref<3200xf32, #tpu.memory_space<vmem>>) offsets(%dma_start3A_7 : memref<3200xi32, #tpu.memory_space<vmem>>) semaphore(%arg10 : memref<!tpu.dma_semaphore, #tpu.memory_space<semaphore_mem>>)
    %dma_start3A_10 = arith.constant 3200 : i32
    %dma_start3A_11 = tpu.memref_slice %arg6[%dma_start3A_10] : memref<6400xi32, #tpu.memory_space<vmem>> -> memref<3200xi32, #tpu.memory_space<vmem>>
    %dma_start3A_12 = arith.constant 0 : i32
    %dma_start3A_13 = tpu.memref_slice %arg5[%dma_start3A_12] : memref<100000xf32, #tpu.memory_space<vmem_shared>> -> memref<100000xf32, #tpu.memory_space<vmem_shared>>
    tpu.enqueue_indirect_dma source(%dma_start3A_13 : memref<100000xf32, #tpu.memory_space<vmem_shared>>) target(%arg8 : memref<3200xf32, #tpu.memory_space<vmem>>) offsets(%dma_start3A_11 : memref<3200xi32, #tpu.memory_space<vmem>>) semaphore(%arg11 : memref<!tpu.dma_semaphore, #tpu.memory_space<semaphore_mem>>)
    %iota3A = tpu.iota {dimensions = array<i32: 0>} : vector<16xi32>
    %mul3A_14 = arith.constant 200 : i32
    %mul3A_15 = vector.broadcast %mul3A_14 : i32 to vector<16xi32>
    %mul3A_16 = arith.muli %iota3A, %mul3A_15 : vector<16xi32>
    %broadcast_in_dim3A = arith.constant 0.182321563 : f32
    %broadcast_in_dim3A_17 = vector.broadcast %broadcast_in_dim3A : f32 to vector<16xf32>
    %broadcast_in_dim3A_18 = arith.constant 0.000000e+00 : f32
    %broadcast_in_dim3A_19 = vector.broadcast %broadcast_in_dim3A_18 : f32 to vector<16xf32>
    %dma_wait3A = arith.constant 0 : i32
    %dma_wait3A_20 = tpu.memref_slice %arg6[%dma_wait3A] : memref<6400xi32, #tpu.memory_space<vmem>> -> memref<3200xi32, #tpu.memory_space<vmem>>
    %dma_wait3A_21 = arith.constant 0 : i32
    %dma_wait3A_22 = tpu.memref_slice %arg5[%dma_wait3A_21] : memref<100000xf32, #tpu.memory_space<vmem_shared>> -> memref<100000xf32, #tpu.memory_space<vmem_shared>>
    tpu.wait_indirect_dma semaphore(%arg10 : memref<!tpu.dma_semaphore, #tpu.memory_space<semaphore_mem>>) src(%dma_wait3A_22 : memref<100000xf32, #tpu.memory_space<vmem_shared>>) dst(%arg7 : memref<3200xf32, #tpu.memory_space<vmem>>)
    %parallel_loop3A = arith.constant 0 : i32
    %parallel_loop3A_23 = arith.constant 100 : i32
    %parallel_loop3A_24 = arith.constant 1 : i32
    %parallel_loop3A_25:2 = scf.for %parallel_loop3A_39 = %parallel_loop3A to %parallel_loop3A_23 step %parallel_loop3A_24 iter_args(%parallel_loop3A_40 = %broadcast_in_dim3A_17, %parallel_loop3A_41 = %broadcast_in_dim3A_19) -> (vector<16xf32>, vector<16xf32>)  : i32 {
      %parallel_loop3A_42 = arith.constant 2 : i32
      %parallel_loop3A_43 = arith.muli %parallel_loop3A_42, %parallel_loop3A_39 : i32
      %parallel_loop3A_44 = vector.broadcast %parallel_loop3A_43 : i32 to vector<16xi32>
      %parallel_loop3A_45 = arith.addi %mul3A_16, %parallel_loop3A_44 : vector<16xi32>
      %parallel_loop3A_46 = tpu.vector_load_idx %arg7[%parallel_loop3A_45] : memref<3200xf32, #tpu.memory_space<vmem>>[vector<16xi32>], vector<16xf32>,
      %parallel_loop3A_47 = arith.addf %parallel_loop3A_40, %parallel_loop3A_46 : vector<16xf32>
      %parallel_loop3A_48 = arith.constant 1 : i32
      %parallel_loop3A_49 = vector.broadcast %parallel_loop3A_48 : i32 to vector<16xi32>
      %parallel_loop3A_50 = arith.addi %parallel_loop3A_45, %parallel_loop3A_49 : vector<16xi32>
      %parallel_loop3A_51 = tpu.vector_load_idx %arg7[%parallel_loop3A_50] : memref<3200xf32, #tpu.memory_space<vmem>>[vector<16xi32>], vector<16xf32>,
      %parallel_loop3A_52 = arith.addf %parallel_loop3A_41, %parallel_loop3A_51 : vector<16xf32>
      scf.yield %parallel_loop3A_47, %parallel_loop3A_52 : vector<16xf32>, vector<16xf32>
    } {sc.loop_unroll_factor = 4 : i64, sc.parallel_access}
    %add3A_26 = arith.addf %parallel_loop3A_25#0, %parallel_loop3A_25#1 : vector<16xf32>
    %dma_wait3A_27 = arith.constant 3200 : i32
    %dma_wait3A_28 = tpu.memref_slice %arg6[%dma_wait3A_27] : memref<6400xi32, #tpu.memory_space<vmem>> -> memref<3200xi32, #tpu.memory_space<vmem>>
    %dma_wait3A_29 = arith.constant 0 : i32
    %dma_wait3A_30 = tpu.memref_slice %arg5[%dma_wait3A_29] : memref<100000xf32, #tpu.memory_space<vmem_shared>> -> memref<100000xf32, #tpu.memory_space<vmem_shared>>
    tpu.wait_indirect_dma semaphore(%arg11 : memref<!tpu.dma_semaphore, #tpu.memory_space<semaphore_mem>>) src(%dma_wait3A_30 : memref<100000xf32, #tpu.memory_space<vmem_shared>>) dst(%arg8 : memref<3200xf32, #tpu.memory_space<vmem>>)
    %parallel_loop3A_31 = arith.constant 0 : i32
    %parallel_loop3A_32 = arith.constant 100 : i32
    %parallel_loop3A_33 = arith.constant 1 : i32
    %parallel_loop3A_34:2 = scf.for %parallel_loop3A_39 = %parallel_loop3A_31 to %parallel_loop3A_32 step %parallel_loop3A_33 iter_args(%parallel_loop3A_40 = %broadcast_in_dim3A_17, %parallel_loop3A_41 = %broadcast_in_dim3A_19) -> (vector<16xf32>, vector<16xf32>)  : i32 {
      %parallel_loop3A_42 = arith.constant 2 : i32
      %parallel_loop3A_43 = arith.muli %parallel_loop3A_42, %parallel_loop3A_39 : i32
      %parallel_loop3A_44 = vector.broadcast %parallel_loop3A_43 : i32 to vector<16xi32>
      %parallel_loop3A_45 = arith.addi %mul3A_16, %parallel_loop3A_44 : vector<16xi32>
      %parallel_loop3A_46 = tpu.vector_load_idx %arg8[%parallel_loop3A_45] : memref<3200xf32, #tpu.memory_space<vmem>>[vector<16xi32>], vector<16xf32>,
      %parallel_loop3A_47 = arith.addf %parallel_loop3A_40, %parallel_loop3A_46 : vector<16xf32>
      %parallel_loop3A_48 = arith.constant 1 : i32
      %parallel_loop3A_49 = vector.broadcast %parallel_loop3A_48 : i32 to vector<16xi32>
      %parallel_loop3A_50 = arith.addi %parallel_loop3A_45, %parallel_loop3A_49 : vector<16xi32>
      %parallel_loop3A_51 = tpu.vector_load_idx %arg8[%parallel_loop3A_50] : memref<3200xf32, #tpu.memory_space<vmem>>[vector<16xi32>], vector<16xf32>,
      %parallel_loop3A_52 = arith.addf %parallel_loop3A_41, %parallel_loop3A_51 : vector<16xf32>
      scf.yield %parallel_loop3A_47, %parallel_loop3A_52 : vector<16xf32>, vector<16xf32>
    } {sc.loop_unroll_factor = 4 : i64, sc.parallel_access}
    %add3A_35 = arith.addf %parallel_loop3A_34#0, %parallel_loop3A_34#1 : vector<16xf32>
    %swap3A = arith.constant 0 : index
    %swap3A_36 = tpu.vector_load %arg9[%swap3A] {strides = array<i32>} : memref<32xf32, #tpu.memory_space<vmem>>, vector<16xf32>,
    tpu.vector_store %arg9[%swap3A], %add3A_26 {strides = array<i32>} : memref<32xf32, #tpu.memory_space<vmem>>, vector<16xf32>,
    %swap3A_37 = arith.constant 16 : index
    %swap3A_38 = tpu.vector_load %arg9[%swap3A_37] {strides = array<i32>} : memref<32xf32, #tpu.memory_space<vmem>>, vector<16xf32>,
    tpu.vector_store %arg9[%swap3A_37], %add3A_35 {strides = array<i32>} : memref<32xf32, #tpu.memory_space<vmem>>, vector<16xf32>,
    "tpu.region"() ({
      %run_scoped3A = tpu.sem_alloc : memref<!tpu.dma_semaphore, #tpu.memory_space<semaphore_mem>>
      %dma_start3A_39 = tpu.memref_slice %arg4[%mul3A_2] : memref<1024xf32, #tpu.memory_space<hbm>> -> memref<32xf32, #tpu.memory_space<hbm>>
      %dma_start3A_40 = tpu.memref_slice %arg4[%mul3A_2] : memref<1024xf32, #tpu.memory_space<hbm>> -> memref<32xf32, #tpu.memory_space<hbm>>
      tpu.enqueue_dma source(%arg9 : memref<32xf32, #tpu.memory_space<vmem>>) target(%dma_start3A_40 : memref<32xf32, #tpu.memory_space<hbm>>) target_semaphore(%run_scoped3A : memref<!tpu.dma_semaphore, #tpu.memory_space<semaphore_mem>>)
      %dma_wait3A_41 = tpu.memref_slice %arg4[%mul3A_2] : memref<1024xf32, #tpu.memory_space<hbm>> -> memref<32xf32, #tpu.memory_space<hbm>>
      %dma_wait3A_42 = tpu.memref_slice %arg4[%mul3A_2] : memref<1024xf32, #tpu.memory_space<hbm>> -> memref<32xf32, #tpu.memory_space<hbm>>
      tpu.wait_dma2 semaphore(%run_scoped3A : memref<!tpu.dma_semaphore, #tpu.memory_space<semaphore_mem>>) src(%arg9 : memref<32xf32, #tpu.memory_space<vmem>>) dst(%dma_wait3A_42 : memref<32xf32, #tpu.memory_space<hbm>>)
      tpu.yield
    }) : () -> ()
    return
  }
}

</mosaic_0001>

<sc_bundles>
// kernel: _run.3.cloned.1.call-start
scs
__scs_entry_jumppad:
0x0: {  	(pc) =	sbr.rel $0x88, $3  }
0x1: {  	(tag) =	ssettag $0x0;
	lr =	simm.s32 $0x1  }
0x2: {  	[smem:$0x3F9F] =	sst lr;
	_ =	strace $0xD0000000  }
0x3: {  	_ = 	snop  }
0x4: {  	_ = 	snop  }
0x5: {  	_ = 	snop  }
0x6: {  	_ = 	snop  }
0x7: {  	_ = 	snop  }
__scs_overlays_trampoline_lowered:
0x8: {  	[smem:$0x3FAE] =	sst s0  }
0x9: {  	[smem:$0x3FAF] =	sst s1  }
0xa: {  	[smem:$0x3FB0] =	sst s2  }
0xb: {  	[smem:$0x3FB1] =	sst s3  }
0xc: {  	[smem:$0x3FB2] =	sst s4  }
0xd: {  	[smem:$0x3FB3] =	sst s5  }
0xe: {  	[smem:$0x3FB4] =	sst s6  }
0xf: {  	[smem:$0x3FB5] =	sst s7  }
0x10: {  	[smem:$0x3FB6] =	sst s8  }
0x11: {  	[smem:$0x3FB7] =	sst s9;
	s0 =	simm.s32 @!p0 $0x0  }
0x12: {  	s1 =	sld [smem:$0x3F9D];
	s0 =	simm.s32 @p0 $0x1  }
0x13: {  	[smem:$0x3FB8] =	sst s0;
	s0 =	simm.s32 @!p1 $0x0  }
0x14: {  	s2 =	sld [smem:$0x3F9C];
	s0 =	simm.s32 @p1 $0x1  }
0x15: {  	[smem:$0x3FB9] =	sst s0;
	s0 =	simm.s32 @!p2 $0x0  }
0x16: {  	s3 =	sld [smem:$0x3FDB];
	s0 =	simm.s32 @p2 $0x1  }
0x17: {  	s4 =	simm.s32 $0x1BF5;
	[smem:$0x3FBB] =	sst s0  }
0x18: {  	s0 =	sld [smem:$0x3F9E];
	_ =	swait.ge [sflag:s4], $0x0  }
0x19: {  	s7 =	sld [smem:$0x3F9F]  }
0x1a: {  	s8 =	sadd.s32 $0xFFFFE003, lr  }
0x1b: {  	s9 =	sadd.s32 $0xFFFFFEF7, lr;
	s5 =	simm.s32 $0xFFFFFFFF;
	p2 =	slt.u32 s8, $0xFFFFF086  }
0x1c: {  	p1 =	slt.u32 s9, $0xF7A;
	s5 =	simm.s32 @!p2 $0x0  }
0x1d: {  	s5 =	simm.s32 @p1 $0x1;
	p0 =	seq.s32 s7, s2  }
0x1e: {  	s7 =	smul.u32 @!p0 $0xF7A, s2;
	p2 =	seq.s32 @!p0 s5, $0x0  }
0x1f: {  	s9 =	smul.u32 $0xF7A, s1;
	s8 =	simm.s32 @!p0 $0x1BF5;
	p2 =	por !p2, p0  }
0x20: {  	[sflag:s8] =	ssyncset.s32 @!p0 $0xFFFFF086;
	s6 =	sadd.s32 @!p0 s3, s7;
	s7 =	simm.s32 @!p0 $0x108  }
0x21: {  	s3 =	sadd.s32 s3, s9;
	s6 =	sadd.s32 @!p0 $0x88, s6;
	s7 =	simm.s32 @p2 $0x1082  }
0x22: {  	[simem:s7], [sflag:s8] =	dma.local @!p0 [hbm:s6], $0xF7A  }
0x23: {  	s9 =	sor.u32 $0xD0000000, s2;
	s6 =	simm.s32 $0x108;
	_ =	swait.ge @!p0 [sflag:s8], $0x0  }
0x24: {  	s3 =	sadd.s32 $0x88, s3;
	s6 =	simm.s32 @!p1 $0x1082;
	[sflag:s4] =	ssyncset.s32 $0xFFFFF086  }
0x25: {  	[simem:s6], [sflag:s4] =	dma.local [hbm:s3], $0xF7A  }
0x26: {  	[smem:$0x3F9F] =	sst s1;
	(tag) =	ssettag s2;
	_ =	strace s9  }
0x27: {  	s1 =	sld [smem:$0x3FAF]  }
0x28: {  	s2 =	sld [smem:$0x3FB0]  }
0x29: {  	s4 =	sld [smem:$0x3FB2]  }
0x2a: {  	p0 =	seq.s32 s5, $0x0;
	s5 =	sld [smem:$0x3FB3]  }
0x2b: {  	s6 =	sld [smem:$0x3FB4]  }
0x2c: {  	s7 =	sld [smem:$0x3FB5]  }
0x2d: {  	s3 =	simm.s32 $0x108;
	s8 =	sld [smem:$0x3FB6]  }
0x2e: {  	s3 =	simm.s32 @!p0 $0x1082;
	s9 =	sld [smem:$0x3FB7]  }
0x2f: {  	lr =	sadd.s32 s0, s3;
	s0 =	sld [smem:$0x3FAE]  }
0x30: {  	s3 =	sld [smem:$0x3FB1]  }
0x31: {  	[smem:$0x3FBA] =	sst s10  }
0x32: {  	s10 =	sld [smem:$0x3FB8];
	_ =	sdelay $0x3  }
0x33: {  	p0 =	seq.s32 s10, $0x1;
	s10 =	sld [smem:$0x3FBA];
	_ =	sdelay $0x3  }
0x34: {  	[smem:$0x3FBA] =	sst s10  }
0x35: {  	s10 =	sld [smem:$0x3FB9];
	_ =	sdelay $0x3  }
0x36: {  	p1 =	seq.s32 s10, $0x1;
	s10 =	sld [smem:$0x3FBA];
	_ =	sdelay $0x3  }
0x37: {  	[smem:$0x3FBA] =	sst s10  }
0x38: {  	s10 =	sld [smem:$0x3FBB]  }
0x39: {  	_ = 	snop;
	(pc) =	sbr.ind lr, $3  }
0x3a: {  	_ = 	snop  }
0x3b: {  	_ = 	snop  }
0x3c: {  	p2 =	seq.s32 s10, $0x1;
	s10 =	sld [smem:$0x3FBA]  }
0x3d: {  	_ =	shalt  }
0x3e: {  	_ =	shalt  }
0x3f: {  	_ =	shalt  }
0x40: {  	_ =	shalt  }
0x41: {  	_ =	shalt  }
0x42: {  	_ =	shalt  }
0x43: {  	_ =	shalt  }
0x44: {  	_ =	shalt  }
0x45: {  	_ =	shalt  }
0x46: {  	_ =	shalt  }
0x47: {  	_ =	shalt  }
0x48: {  	_ =	shalt  }
0x49: {  	_ =	shalt  }
0x4a: {  	_ =	shalt  }
0x4b: {  	_ =	shalt  }
0x4c: {  	_ =	shalt  }
0x4d: {  	_ =	shalt  }
0x4e: {  	_ =	shalt  }
0x4f: {  	_ =	shalt  }
0x50: {  	_ =	shalt  }
0x51: {  	_ =	shalt  }
0x52: {  	_ =	shalt  }
0x53: {  	_ =	shalt  }
0x54: {  	_ =	shalt  }
0x55: {  	_ =	shalt  }
0x56: {  	_ =	shalt  }
0x57: {  	_ =	shalt  }
0x58: {  	_ =	shalt  }
0x59: {  	_ =	shalt  }
0x5a: {  	_ =	shalt  }
0x5b: {  	_ =	shalt  }
0x5c: {  	_ =	shalt  }
0x5d: {  	_ =	shalt  }
0x5e: {  	_ =	shalt  }
0x5f: {  	_ =	shalt  }
0x60: {  	_ =	shalt  }
0x61: {  	_ =	shalt  }
0x62: {  	_ =	shalt  }
0x63: {  	_ =	shalt  }
0x64: {  	_ =	shalt  }
0x65: {  	_ =	shalt  }
0x66: {  	_ =	shalt  }
0x67: {  	_ =	shalt  }
0x68: {  	_ =	shalt  }
0x69: {  	_ =	shalt  }
0x6a: {  	_ =	shalt  }
0x6b: {  	_ =	shalt  }
0x6c: {  	_ =	shalt  }
0x6d: {  	_ =	shalt  }
0x6e: {  	_ =	shalt  }
0x6f: {  	_ =	shalt  }
0x70: {  	_ =	shalt  }
0x71: {  	_ =	shalt  }
0x72: {  	_ =	shalt  }
0x73: {  	_ =	shalt  }
0x74: {  	_ =	shalt  }
0x75: {  	_ =	shalt  }
0x76: {  	_ =	shalt  }
0x77: {  	_ =	shalt  }
0x78: {  	_ =	shalt  }
0x79: {  	_ =	shalt  }
0x7a: {  	_ =	shalt  }
0x7b: {  	_ =	shalt  }
0x7c: {  	_ =	shalt  }
0x7d: {  	_ =	shalt  }
0x7e: {  	_ =	shalt  }
0x7f: {  	_ =	shalt  }
0x80: {  	_ =	shalt  }
0x81: {  	_ =	shalt  }
0x82: {  	_ =	shalt  }
0x83: {  	_ =	shalt  }
0x84: {  	_ =	shalt  }
0x85: {  	_ =	shalt  }
0x86: {  	_ =	shalt  }
0x87: {  	_ =	shalt  }
.Lfunc_end0:
.L_simem_size_0:
called_computation_lowered:
.L_overlay_start_0:
0x88: {  	s2 =	sld [smem:$0x3FD9]  }
0x89: {  	s3 =	sld [smem:$0x3FFE];
	_ =	sdelay $0x1  }
0x8a: {  	s1 =	srdreg.scid  }
0x8b: {  	s0 =	sand.u32 $0x1, s1  }
0x8c: {  	s18 =	sshll.u32 s0, $0xA;
	s2 =	sadd.s32 s3, s2  }
0x8d: {  	s2 =	sadd.s32 s2, s18  }
0x8e: {  	[smem:$0x3FC6] =	sst s2  }
0x8f: {  	_ = 	snop  }
0x90: {  	s2 =	sld [smem:$0x3FC9]  }
0x91: {  	s19 =	sld [smem:$0x3FC8]  }
0x92: {  	s4 =	sld [smem:$0x3FD0];
	(tm) =	ssettm $0x1  }
0x93: {  	s5 =	sld [smem:$0x3FFB];
	_ =	sdelay $0x3  }
0x94: {  	_ =	strace s5  }
0x95: {  	s5 =	sld [smem:$0x3FFC];
	_ =	sdelay $0x3  }
0x96: {  	_ =	strace s5  }
0x97: {  	s5 =	sld [smem:$0x3FFD];
	_ =	sdelay $0x3  }
0x98: {  	_ =	strace s5  }
0x99: {  	_ =	strace $0x8FFFFFFF  }
0x9a: {  	s20 =	sld [smem:$0x3FDB];
	_ =	sdelay $0x1  }
0x9b: {  	s6 =	simm.s32 $_scs_section_size  }
0x9c: {  	s7 =	simm.s32 $_size__tile_overlayer_lowered;
	s8 =	simm.s32 $_tile_overlayer_lowered  }
0x9d: {  	s23 =	simm.s32 $0x1BFF;
	s22 =	sshll.u32 s8, $0x1;
	s5 =	sadd.s32 s6, s20  }
0x9e: {  	s9 =	simm.s32 $0x0;
	s21 =	sshll.u32 s7, $0x1;
	s7 =	sadd.s32 s22, s5  }
0x9f: {  	[timem:s9], [sflag:s23] =	dma.local [hbm:s7], s21  }
0xa0: {  	_ =	swait.ge [sflag:s23], s21  }
0xa1: {  	s6 =	ssub.s32 $0x0, s21;
	[sflag:s23] =	ssyncset.done $0x0  }
0xa2: {  	[sflag:s23] =	ssyncadd.s32 s6;
	_ =	sdelay $0x1  }
0xa3: {  	s24 =	simm.s32 $0x1B8B  }
0xa4: {  	_ =	swait.ge [sflag:s24], $0x1  }
0xa5: {  	[sflag:s24] =	ssyncset.done $0x0  }
0xa6: {  	s25 =	simm.s32 $0x1B8E;
	[sflag:s24] =	ssyncadd.s32 $0xFFFFFFFF  }
0xa7: {  	s26 =	simm.s32 $execute0_lowered;
	[smem:$0x3FD2] =	sst s25  }
0xa8: {  	s6 =	sshll.u32 s26, $0x1;
	_ =	strace $0x80000046;
	[dreg:$0x1] =	wrdreg $0xFFFFFFFF  }
0xa9: {  	s28 =	simm.s32 $_size_execute0_lowered;
	s5 =	sadd.s32 s5, s6;
	[dreg:$0x0] =	wrdreg $0x0  }
0xaa: {  	s6 =	sshll.u32 s28, $0x1;
	[dreg:$0x2] =	wrdreg s5  }
0xab: {  	[dreg:$0x3] =	wrdreg s6  }
0xac: {  	[dreg:$0x4] =	wrdreg $0xC0  }
0xad: {  	_ =	task [dreg:s9], $0x5FFFF  }
0xae: {  	[dreg:$0x1] =	wrdreg $0xFFFFFFFF  }
0xaf: {  	[dreg:$0x0] =	wrdreg $0x60  }
0xb0: {  	[dreg:$0x2] =	wrdreg s2  }
0xb1: {  	[dreg:$0x3] =	wrdreg s19  }
0xb2: {  	[dreg:$0x4] =	wrdreg s4  }
0xb3: {  	[dreg:$0x5] =	wrdreg $0x0  }
0xb4: {  	[dreg:$0x6] =	wrdreg $0x9  }
0xb5: {  	_ =	task.clear_ibuf [dreg:s9], $0x7FFFF;
	_ =	strace $0x90000046  }
0xb6: {  	s29 =	simm.s32 $0x9;
	_ =	strace $0x80000048  }
0xb7: {  	_ =	swait.ge [sflag:s29], $0x1  }
0xb8: {  	[sflag:s29] =	ssyncadd.s32 $0xFFFFFFFF  }
0xb9: {  	_ =	strace $0x90000048  }
0xba: {  	_ =	sfence  }
0xbb: {  	s30 =	sld [smem:$0x0];
	_ =	sdelay $0x2  }
0xbc: {  	s31 =	sshll.u32 s1, $0xD;
	s1 =	sshrl.u32 s1, $0x2  }
0xbd: {  	s3 =	sand.u32 $0x4000, s31;
	s1 =	sadd.s32 s1, s30  }
0xbe: {  	s0 =	sor.u32 s3, s0;
	s1 =	sshll.u32 s1, $0x11  }
0xbf: {  	s0 =	sor.u32 s1, s0  }
0xc0: {  	s0 =	sadd.s32 $0x8F2B, s0  }
0xc1: {  	[sflag:s0] =	ssyncadd.remote.s32 $0x1  }
0xc2: {  	_ =	sfence.sel $0xFFFF  }
0xc3: {  	[dreg:$0x0] =	wrdreg $0xFFFFFFFF;
	(pc) =	sbr.abs _section_cstart, $3  }
0xc4: {  	[dreg:$0x1] =	wrdreg $0xFFFFFFFF  }
0xc5: {  	_ =	task.clear_ibuf [dreg:s9], $0x2FFFF;
	_ =	strace $0x9FFFFFFF  }
0xc6: {  	(tm) =	ssettm $0x7FFFFFFF  }
0xc7: {  	_ =	shalt  }
tec
execute0_lowered:
.L_overlay_start_1:
0x0: {  	(tag) =	ssettag $0x1  }
0x1: {  	s4 =	rddreg [dreg:$0x0]  }
0x2: {  	s1 =	rddreg [dreg:$0x1]  }
0x3: {  	s5 =	rddreg [dreg:$0x2]  }
0x4: {  	s2 =	rddreg [dreg:$0x3]  }
0x5: {  	s3 =	srdreg.scid;
	s6 =	stileid.u32  }
0x6: {  	s0 =	rddreg [dreg:$0x4];
	s11 =	simm.s32 $0x3170;
	s12 =	simm.s32 $0x24F0  }
0x7: {  	s13 =	simm.s32 $0x3DF0;
	s14 =	simm.s32 $0x1;
	s15 =	simm.s32 $0x2  }
0x8: {  	s16 =	simm.s32 $0x4A70;
	s17 =	simm.s32 $0x0;
	s7 =	sand.u32 $0x1, s3  }
0x9: {  	s8 =	sshll.u32 s6, $0x1;
	s3 =	simm.s32 $0x0;
	p0 =	sne.s32 s6, $0x0  }
0xa: {  	s9 =	ssub.s32 $0x2, s7;
	s7 =	sor.u32 s7, s8;
	[smem:$0x7FF] =	sst s3  }
0xb: {  	v0 =	vlaneseq.u32;
	s31 =	sshrl.u32 s9, $0x1;
	s10 =	smul.u32 $0x320, s7;
	s7 =	sshll.u32 s7, $0x2  }
0xc: {  	v0 =	vmul.u32 $0xC8, v0;
	_ =	strace $0x80000047;
	s8 =	ssub.s32 s9, s31;
	s5 =	sadd.s32 s5, s7  }
0xd: {  	s7 =	sshrl.u32 @!p0 s2, $0x3;
	s9 =	simm.s32 $0x3;
	s4 =	sadd.s32 s4, s10  }
0xe: {  	v1 =	vor.u32 $0x1, v0;
	s6 =	smax.u32 s8, $0x1;
	s8 =	simm.s32 $0x1870;
	s10 =	simm.s32 $0xC80  }
.LBB2_1:
0xf: {  	s18 =	simm.s32 @!p0 $0x1C03  }
0x10: {  	[spmem:s7], [sflag:s18] =	dma.local @!p0 [hbm:s1], $0x30E0  }
0x11: {  	s18 =	simm.s32 @!p0 $0x3  }
0x12: {  	_ =	swait.ge @!p0 [sflag:s18], $0x30E0  }
0x13: {  	[sflag:s18] =	ssyncset.done @!p0 $0x0  }
0x14: {  	[sflag:s18] =	ssyncadd.s32 @!p0 $0xFFFFCF20  }
0x15: {  	[tilespmem:s8], [sflag:$0x3] =	stream.linear.gather [hbm4b:s4+s3], $0x1900, $0x38;
	[tilespmem:$0x4AF0] =	vst v63  }
0x16: {  	_ =	swait.ge [sflag:s9], $0x1900  }
0x17: {  	[sflag:s9] =	ssyncset.done $0x0  }
0x18: {  	[sflag:s9] =	ssyncadd.s32 $0xFFFFE700  }
0x19: {  	s26 =	simm.s32 $0x0;
	[bflag:$0x0] =	sbarrier.arrive $0xFFFF  }
0x1a: {  	[tilespmem:s11], [sflag:$0x1] =	stream.indirect.gather [spmem:s2], $0x1, s8, s10, $0xb8;
	[tilespmem:$0x4AF0] =	vst v63  }
0x1b: {  	v2 =	vadd.s32 s26, v0  }
0x1c: {  	[tilespmem:s13], [sflag:$0x2] =	stream.indirect.gather [spmem:s2], $0x1, s12, s10, $0xb8;
	[tilespmem:$0x4AF0] =	vst v63  }
0x1d: {  	s28 =	simm.s32 $0x2;
	v3 =	vadd.s32 s26, v1;
	_ =	swait.ge [sflag:s14], $0xC80  }
0x1e: {  	v4 =	vadd.s32 s28, v0;
	[sflag:s14] =	ssyncset.done $0x0  }
0x1f: {  	s29 =	simm.s32 $0x4;
	v5 =	vadd.s32 s28, v1;
	[sflag:s14] =	ssyncadd.s32 $0xFFFFF380  }
0x20: {  	s19 =	simm.s32 $0x6;
	v7 =	vld.idx.msk [tilespmem:v2+s11+$0x0], $0xffff;
	v2 =	vadd.s32 s29, v1  }
0x21: {  	v8 =	vadd.s32 s19, v0  }
0x22: {  	v6 =	vadd.s32 s29, v0;
	v3 =	vld.idx.msk [tilespmem:v3+s11+$0x0], $0xffff  }
0x23: {  	s30 =	simm.s32 $0x8;
	v9 =	vadd.s32 s19, v1;
	v13 =	vld.idx.msk [tilespmem:v4+s11+$0x0], $0xffff  }
0x24: {  	v10 =	vadd.s32 s30, v0;
	v15 =	vld.idx.msk [tilespmem:v5+s11+$0x0], $0xffff  }
0x25: {  	s31 =	simm.s32 $0xA;
	v14 =	vadd.s32 s30, v1;
	v5 =	vld.idx.msk [tilespmem:v2+s11+$0x0], $0xffff  }
0x26: {  	v11 =	vimm.f32 $0.0e+00;
	v2 =	vld.idx.msk [tilespmem:v8+s11+$0x0], $0xffff;
	v8 =	vadd.s32 s31, v0  }
0x27: {  	s20 =	simm.s32 $0xC;
	v4 =	vld.idx.msk [tilespmem:v6+s11+$0x0], $0xffff;
	v6 =	vimm.f32 $1.823215630e-01;
	v17 =	vadd.f32 v3, v11;
	v11 =	vadd.s32 s31, v1  }
0x28: {  	v16 =	vadd.f32 v7, v6;
	v7 =	vld.idx.msk [tilespmem:v9+s11+$0x0], $0xffff;
	v9 =	vadd.s32 s20, v0  }
0x29: {  	v12 =	vadd.s32 s20, v1;
	s18 =	simm.s32 $0xE;
	v3 =	vld.idx.msk [tilespmem:v10+s11+$0x0], $0xffff  }
0x2a: {  	s19 =	simm.s32 $0x4;
	v6 =	vld.idx.msk [tilespmem:v14+s11+$0x0], $0xffff;
	v10 =	vadd.s32 s18, v0;
	s20 =	simm.s32 $0x16;
	v14 =	vadd.f32 v13, v16;
	v13 =	vadd.f32 v15, v17  }
.LBB2_2:
0x2b: {  	s21 =	sadd.s32 $0xFFFFFFFA, s20;
	v15 =	vld.idx.msk [tilespmem:v8+s11+$0x0], $0xffff;
	v16 =	vadd.s32 s18, v1;
	s18 =	smov.u32 s20  }
0x2c: {  	s19 =	sadd.s32 $0x4, s19;
	v17 =	vadd.s32 s21, v0;
	v18 =	vld.idx.msk [tilespmem:v11+s11+$0x0], $0xffff;
	v11 =	vadd.f32 v4, v14;
	v13 =	vadd.f32 v5, v13  }
0x2d: {  	v14 =	vadd.s32 s21, v1;
	s21 =	sadd.s32 $0xFFFFFFFC, s20;
	p1 =	slt.u32 s19, $0x60;
	v4 =	vld.idx.msk [tilespmem:v9+s11+$0x0], $0xffff  }
.Ltmp0:
0x2e: {  	v8 =	vadd.s32 s21, v0;
	v5 =	vld.idx.msk [tilespmem:v12+s11+$0x0], $0xffff;
	v12 =	vadd.f32 v2, v11;
	v7 =	vadd.f32 v7, v13;
	(pc) =	sbr.rel @p1 .LBB2_2-.Ltmp0, $4  }
0x2f: {  	v11 =	vadd.s32 s21, v1;
	s21 =	sadd.s32 $0xFFFFFFFE, s20;
	v2 =	vld.idx.msk [tilespmem:v10+s11+$0x0], $0xffff  }
0x30: {  	v9 =	vadd.s32 s21, v0;
	v13 =	vadd.f32 v3, v12;
	v19 =	vadd.f32 v6, v7;
	v7 =	vld.idx.msk [tilespmem:v16+s11+$0x0], $0xffff  }
0x31: {  	v12 =	vadd.s32 s21, v1;
	v3 =	vld.idx.msk [tilespmem:v17+s11+$0x0], $0xffff  }
0x32: {  	s20 =	sadd.s32 $0x8, s20;
	v10 =	vadd.s32 s18, v0;
	v6 =	vld.idx.msk [tilespmem:v14+s11+$0x0], $0xffff;
	v14 =	vadd.f32 v15, v13;
	v13 =	vadd.f32 v18, v19  }
0x33: {  	_ =	sdelay $0x2  }
0x34: {  	v15 =	vadd.s32 s18, v1  }
0x35: {  	v8 =	vld.idx.msk [tilespmem:v8+s11+$0x0], $0xffff  }
0x36: {  	v11 =	vld.idx.msk [tilespmem:v11+s11+$0x0], $0xffff  }
0x37: {  	v9 =	vld.idx.msk [tilespmem:v9+s11+$0x0], $0xffff;
	s26 =	simm.s32 $0x0  }
0x38: {  	v12 =	vld.idx.msk [tilespmem:v12+s11+$0x0], $0xffff;
	v4 =	vadd.f32 v4, v14;
	v14 =	vadd.s32 s26, v0;
	v5 =	vadd.f32 v5, v13  }
0x39: {  	s28 =	simm.s32 $0x2;
	v13 =	vld.idx.msk [tilespmem:v15+s11+$0x0], $0xffff;
	v15 =	vadd.s32 s26, v1  }
0x3a: {  	v10 =	vld.idx.msk [tilespmem:v10+s11+$0x0], $0xffff;
	v2 =	vadd.f32 v2, v4;
	v4 =	vadd.s32 s28, v0;
	v5 =	vadd.f32 v7, v5;
	_ =	swait.ge [sflag:s15], $0xC80  }
0x3b: {  	s29 =	simm.s32 $0x4;
	v7 =	vadd.s32 s28, v1;
	[sflag:s15] =	ssyncset.done $0x0  }
0x3c: {  	v2 =	vadd.f32 v3, v2;
	v3 =	vadd.s32 s29, v0;
	v5 =	vadd.f32 v6, v5;
	[sflag:s15] =	ssyncadd.s32 $0xFFFFF380  }
0x3d: {  	s19 =	simm.s32 $0x6;
	v6 =	vadd.s32 s29, v1;
	v14 =	vld.idx.msk [tilespmem:v14+s13+$0x0], $0xffff  }
0x3e: {  	v2 =	vadd.f32 v8, v2;
	v5 =	vadd.f32 v11, v5;
	v8 =	vld.idx.msk [tilespmem:v15+s13+$0x0], $0xffff;
	v15 =	vadd.s32 s19, v0  }
0x3f: {  	s30 =	simm.s32 $0x8;
	v11 =	vadd.s32 s19, v1;
	v16 =	vld.idx.msk [tilespmem:v4+s13+$0x0], $0xffff  }
0x40: {  	v17 =	vld.idx.msk [tilespmem:v7+s13+$0x0], $0xffff;
	v2 =	vadd.f32 v9, v2;
	v9 =	vadd.s32 s30, v0;
	v5 =	vadd.f32 v12, v5  }
0x41: {  	s31 =	simm.s32 $0xA;
	v18 =	vadd.s32 s30, v1;
	v7 =	vimm.f32 $1.823215630e-01;
	v4 =	vld.idx.msk [tilespmem:v3+s13+$0x0], $0xffff  }
0x42: {  	v12 =	vadd.s32 s31, v0;
	v6 =	vld.idx.msk [tilespmem:v6+s13+$0x0], $0xffff;
	v2 =	vadd.f32 v10, v2;
	v3 =	vadd.f32 v13, v5  }
0x43: {  	s20 =	simm.s32 $0xC;
	v10 =	vimm.f32 $0.0e+00;
	v5 =	vld.idx.msk [tilespmem:v15+s13+$0x0], $0xffff;
	v15 =	vadd.f32 v14, v7;
	v14 =	vadd.s32 s31, v1  }
0x44: {  	v19 =	vadd.f32 v8, v10;
	v8 =	vld.idx.msk [tilespmem:v11+s13+$0x0], $0xffff;
	v10 =	vadd.s32 s20, v0  }
0x45: {  	s18 =	simm.s32 $0xE;
	v13 =	vadd.s32 s20, v1;
	v7 =	vld.idx.msk [tilespmem:v9+s13+$0x0], $0xffff  }
0x46: {  	s19 =	simm.s32 $0x4;
	v9 =	vld.idx.msk [tilespmem:v18+s13+$0x0], $0xffff;
	v11 =	vadd.s32 s18, v0;
	s20 =	simm.s32 $0x16;
	v15 =	vadd.f32 v16, v15;
	v16 =	vadd.f32 v17, v19  }
.LBB2_4:
0x47: {  	s21 =	sadd.s32 $0xFFFFFFFA, s20;
	v17 =	vld.idx.msk [tilespmem:v12+s13+$0x0], $0xffff;
	v18 =	vadd.s32 s18, v1;
	s18 =	smov.u32 s20  }
0x48: {  	s19 =	sadd.s32 $0x4, s19;
	v19 =	vadd.s32 s21, v0;
	v20 =	vld.idx.msk [tilespmem:v14+s13+$0x0], $0xffff;
	v14 =	vadd.f32 v4, v15;
	v15 =	vadd.f32 v6, v16  }
0x49: {  	v16 =	vadd.s32 s21, v1;
	s21 =	sadd.s32 $0xFFFFFFFC, s20;
	p1 =	slt.u32 s19, $0x60;
	v4 =	vld.idx.msk [tilespmem:v10+s13+$0x0], $0xffff  }
.Ltmp1:
0x4a: {  	v12 =	vadd.s32 s21, v0;
	v6 =	vld.idx.msk [tilespmem:v13+s13+$0x0], $0xffff;
	v13 =	vadd.f32 v5, v14;
	v8 =	vadd.f32 v8, v15;
	(pc) =	sbr.rel @p1 .LBB2_4-.Ltmp1, $4  }
0x4b: {  	v14 =	vadd.s32 s21, v1;
	s21 =	sadd.s32 $0xFFFFFFFE, s20;
	v5 =	vld.idx.msk [tilespmem:v11+s13+$0x0], $0xffff  }
0x4c: {  	v10 =	vadd.s32 s21, v0;
	v15 =	vadd.f32 v7, v13;
	v21 =	vadd.f32 v9, v8;
	v8 =	vld.idx.msk [tilespmem:v18+s13+$0x0], $0xffff  }
0x4d: {  	v13 =	vadd.s32 s21, v1;
	v7 =	vld.idx.msk [tilespmem:v19+s13+$0x0], $0xffff  }
0x4e: {  	s20 =	sadd.s32 $0x8, s20;
	v11 =	vadd.s32 s18, v0;
	v9 =	vld.idx.msk [tilespmem:v16+s13+$0x0], $0xffff;
	v15 =	vadd.f32 v17, v15;
	v16 =	vadd.f32 v20, v21  }
0x4f: {  	_ =	sdelay $0x3  }
0x50: {  	v12 =	vld.idx.msk [tilespmem:v12+s13+$0x0], $0xffff;
	v17 =	vadd.s32 s18, v1;
	v4 =	vadd.f32 v4, v15;
	v6 =	vadd.f32 v6, v16  }
0x51: {  	v14 =	vld.idx.msk [tilespmem:v14+s13+$0x0], $0xffff  }
0x52: {  	v10 =	vld.idx.msk [tilespmem:v10+s13+$0x0], $0xffff;
	v4 =	vadd.f32 v5, v4;
	v60 =	vadd.f32 v8, v6  }
0x53: {  	v61 =	vld.idx.msk [tilespmem:v13+s13+$0x0], $0xffff  }
0x54: {  	v62 =	vld.idx.msk [tilespmem:v11+s13+$0x0], $0xffff;
	v4 =	vadd.f32 v7, v4;
	v5 =	vadd.f32 v9, v60  }
0x55: {  	v63 =	vld.idx.msk [tilespmem:v17+s13+$0x0], $0xffff  }
0x56: {  	v4 =	vadd.f32 v12, v4;
	v5 =	vadd.f32 v14, v5;
	_ =	sdelay $0x1  }
0x57: {  	v4 =	vadd.f32 v10, v4;
	v5 =	vadd.f32 v61, v5;
	_ =	sdelay $0x1  }
0x58: {  	v4 =	vadd.f32 v62, v4;
	v5 =	vadd.f32 v63, v5  }
0x59: {  	v2 =	vadd.f32 v3, v2  }
0x5a: {  	s17 =	sadd.s32 $0x1, s17;
	v3 =	vadd.f32 v5, v4  }
0x5b: {  	p1 =	sne.s32 s17, s6;
	[tilespmem:$0x4A70] =	vst v2  }
.Ltmp2:
0x5c: {  	[tilespmem:$0x4A80] =	vst v3;
	(pc) =	sbr.rel @p1 .LBB2_1-.Ltmp2, $4  }
0x5d: {  	[hbm4b:s5+s3] =	stream.linear.scatter [tilespmem:s16], [sflag:$0x3], $0x20, $0x38;
	[tilespmem:$0x4AF0] =	vst v63  }
0x5e: {  	_ =	swait.ge [sflag:s9], $0x20  }
0x5f: {  	[sflag:s9] =	ssyncset.done $0x0  }
0x60: {  	[sflag:s9] =	ssyncadd.s32 $0xFFFFFFE0  }
0x61: {  	_ =	sfence.sel $0x180000  }
0x62: {  	[bflag:$0x0] =	sbarrier.arrive $0xFFFF  }
0x63: {  	_ =	strace $0x90000047  }
0x64: {  	s0 =	sadd.s32 @!p0 $0x100000, s0;
	[bflag:$0x2] =	sbarrier.arrive $0xFFFF  }
0x65: {  	[sflag:s0] =	ssyncadd.tile.s32 @!p0 $0x1;
	_ =	shalt  }
.Lfunc_end2:
_tile_overlayer_lowered:
.L_overlay_start_2:
0x66: {  	(tag) =	ssettag $0x2  }
0x67: {  	s0 =	rddreg [dreg:$0x0];
	s2 =	stileid.u32  }
0x68: {  	s1 =	rddreg [dreg:$0x1];
	p0 =	sne.s32 s2, $0x0  }
0x69: {  	s3 =	rddreg [dreg:$0x2];
	[bflag:$0x3] =	sbarrier.arrive $0xFFFF;
	s2 =	simm.s32 @!p0 $0x1C03  }
0x6a: {  	[timem:s3], [sflag:s2] =	dma.local @!p0 [hbm:s0], s1  }
0x6b: {  	s0 =	simm.s32 @!p0 $0x3  }
0x6c: {  	_ =	swait.ge @!p0 [sflag:s0], s1  }
0x6d: {  	s1 =	ssub.s32 @!p0 $0x0, s1;
	[sflag:s0] =	ssyncset.done @!p0 $0x0  }
0x6e: {  	[sflag:s0] =	ssyncadd.s32 @!p0 s1  }
0x6f: {  	[bflag:$0x3] =	sbarrier.arrive $0xFFFF  }
0x70: {  	_ =	shalt  }

</sc_bundles>
